<compile_context>
chip_gen: v7x
topology: tpu7x:2x2x1
jax: 0.10.2.dev20260603
libtpu: 0.0.44.dev20260713+nightly
codegen_flags: <defaults>
</compile_context>

<pallas_src>
import functools
import jax
import jax.numpy as jnp
from jax import lax
from jax.experimental import pallas as pl
from jax.experimental.pallas import tpu as pltpu
from jax.experimental.pallas import tpu_sc as plsc

N_TILE = 3072


def _mq_tc_kernel(q_ref, wt_ref, idx_ref, oh_ref, perp_ref, counts_ref):
    i = pl.program_id(0)
    nsteps = pl.num_programs(0)
    q = q_ref[:]
    wt = wt_ref[:]
    sim = jnp.dot(q, wt, preferred_element_type=jnp.float32)
    l2q = jnp.sum(q * q, axis=1, keepdims=True)
    l2k = jnp.sum(wt * wt, axis=0, keepdims=True)
    dist = (l2q + l2k) - 2.0 * sim
    idx = jnp.argmin(dist, axis=1).astype(jnp.int32)
    idx_ref[:] = idx[:, None]
    iota = jax.lax.broadcasted_iota(jnp.int32, dist.shape, 1)
    oh = (iota == idx[:, None]).astype(jnp.float32)
    oh_ref[:] = oh

    tile_counts = jnp.sum(oh, axis=0, keepdims=True)

    @pl.when(i == 0)
    def _():
        counts_ref[:] = tile_counts

    @pl.when(i > 0)
    def _():
        counts_ref[:] = counts_ref[:] + tile_counts

    @pl.when(i == nsteps - 1)
    def _():
        n_total = nsteps * q.shape[0]
        z_mean = counts_ref[:] / n_total
        ent = jnp.sum(z_mean * jnp.log(z_mean + 1e-10), axis=1, keepdims=True)
        perp_ref[:] = jnp.exp(-ent)


def _sc_gather(W, idx_flat, N, C):
    info = plsc.get_sparse_core_info()
    NC, NS = info.num_cores, info.num_subcores
    NW = NC * NS
    b_per_w = N // NW
    n_chunk = 3
    chunk = b_per_w // n_chunk
    mesh = plsc.VectorSubcoreMesh(core_axis_name="c", subcore_axis_name="s")

    @functools.partial(
        pl.kernel,
        mesh=mesh,
        out_type=jax.ShapeDtypeStruct((N, C), jnp.float32),
    scratch_types=[
            pltpu.VMEM((n_chunk, chunk), jnp.int32),
            pltpu.VMEM((b_per_w, C), jnp.float32),
            pltpu.SemaphoreType.DMA,
            pltpu.SemaphoreType.DMA,
        ],
    )
    def gather_kernel(table_hbm, idx_hbm, out_hbm, idx_v, rows_v, isem, gsem):
        wid = lax.axis_index("s") * NC + lax.axis_index("c")
        base = wid * b_per_w
        copies = [
            pltpu.async_copy(idx_hbm.at[pl.ds(base + j * chunk, chunk)],
                             idx_v.at[j], isem)
            for j in range(n_chunk)
        ]
        for cp in copies:
            cp.wait()
        gathers = [
            pltpu.async_copy(table_hbm.at[idx_v.at[j]],
                             rows_v.at[pl.ds(j * chunk, chunk)], gsem)
            for j in range(n_chunk)
        ]
        for g in gathers:
            g.wait()
        pltpu.sync_copy(rows_v, out_hbm.at[pl.ds(base, b_per_w)])

    return gather_kernel(W, idx_flat)


def kernel(x, W):
    b, n, c = x.shape
    q = x.reshape(b * n, c)
    N = b * n
    K = W.shape[0]
    wt = W.T
    nsteps = N // N_TILE

    idx, oh, perp = pl.pallas_call(
        _mq_tc_kernel,
        grid=(nsteps,),
        in_specs=[
            pl.BlockSpec((N_TILE, c), lambda i: (i, 0)),
            pl.BlockSpec((c, K), lambda i: (0, 0)),
        ],
        out_specs=[
            pl.BlockSpec((N_TILE, 1), lambda i: (i, 0)),
            pl.BlockSpec((N_TILE, K), lambda i: (i, 0)),
            pl.BlockSpec((1, 1), lambda i: (0, 0)),
        ],
        out_shape=[
            jax.ShapeDtypeStruct((N, 1), jnp.int32),
            jax.ShapeDtypeStruct((N, K), jnp.float32),
            jax.ShapeDtypeStruct((1, 1), jnp.float32),
        ],
        scratch_shapes=[pltpu.VMEM((1, K), jnp.float32)],
    )(q, wt)

    idx_flat = idx.reshape(N)
    emb = _sc_gather(W, idx_flat, N, c)

    embedding = emb.reshape(b, n, c)
    indices = idx.reshape(b, n)
    onehot = oh.reshape(b, n, K)
    perplexity = perp[0, 0]
    return embedding, indices, onehot, perplexity

# --- scband reference (transcript-rebuilt; emitter-appended) ---
"""Pipeline reference for scband-mqblock-39797166964973 (READ-ONLY COPY).

The authoritative reference and input builder live on the scoring server;
editing this copy changes nothing except your own understanding.
"""

import jax, jax.numpy as jnp
import numpy as np


def setup_inputs(seed: int = 0) -> dict:
    key = jax.random.key(seed)
    k1, k2 = jax.random.split(key)
    x = jax.random.normal(k1, (16, 576, 256), dtype=jnp.float32)
    # learned codebook: nn.Embedding(memory_size=1024, features=256), init normal_()
    W = jax.random.normal(k2, (1024, 256), dtype=jnp.float32)
    return {"x": x, "W": W}


def reference(x, W):
    # MQBlock.forward (inference path; EMA update only runs in training mode)
    b, n, c = x.shape
    q = x.reshape(b * n, c)
    k = W
    # QuantizerBase.similarity: squared L2 distance
    l2_q = jnp.sum(q ** 2, axis=1, keepdims=True)  # (N, 1)
    l2_k = jnp.sum(k ** 2, axis=1)                  # (M,)
    sim = q @ k.T                                   # (N, M)
    dist = l2_q + l2_k - 2.0 * sim
    z_indices = jnp.argmin(dist, axis=1)
    z_onehot = jax.nn.one_hot(z_indices, k.shape[0], dtype=jnp.float32)
    z = z_onehot @ k                                # einsum('n m, m c -> n c')
    # straight-through estimator
    z = q + jax.lax.stop_gradient(z - q)
    # perplexity
    z_mean = jnp.mean(z_onehot, axis=0)
    perplexity = jnp.exp(-jnp.sum(z_mean * jnp.log(z_mean + 1e-10)))
    embedding = z.reshape(b, n, c)
    indices = z_indices.reshape(b, n)
    onehot = z_onehot.reshape(b, n, k.shape[0])
    return embedding, indices, onehot, perplexity

if __name__ == "__main__":
    import jax
    _d = setup_inputs()
    print(jax.jit(kernel)(*tuple(_d.values())))

</pallas_src>

<mosaic_0001>
#map = affine_map<(d0, d1) -> (0, 0)>
#map1 = affine_map<(d0, d1) -> (0)>
module attributes {stable_mosaic.version = 14 : i64} {
  func.func @gather_kernel(%arg0: i32, %arg1: i32, %arg2: memref<1024x256xf32, #tpu.memory_space<hbm>>, %arg3: memref<9216xi32, #tpu.memory_space<hbm>>, %arg4: memref<9216x256xf32, #tpu.memory_space<hbm>>, %arg5: memref<3x96xi32, #tpu.memory_space<vmem>>, %arg6: memref<288x256xf32, #tpu.memory_space<vmem>>, %arg7: memref<!tpu.dma_semaphore, #tpu.memory_space<semaphore_mem>>, %arg8: memref<!tpu.dma_semaphore, #tpu.memory_space<semaphore_mem>>) attributes {dimension_semantics = [#tpu.dimension_semantics<core_parallel>, #tpu.dimension_semantics<subcore_parallel>], iteration_bounds = array<i64: 2, 16>, scalar_prefetch = 0 : i64, scratch_operands = 4 : i64, tpu.core_type = #tpu.core_type<sc_vector_subcore>, window_params = [{transform_indices = #map}, {transform_indices = #map1}, {transform_indices = #map}]} {
    %mul3A = arith.constant 2 : i32
    %mul3A_0 = arith.muli %arg1, %mul3A : i32
    %add3A = arith.addi %mul3A_0, %arg0 : i32
    %mul3A_1 = arith.constant 288 : i32
    %mul3A_2 = arith.muli %add3A, %mul3A_1 : i32
    %add3A_3 = arith.constant 0 : i32
    %add3A_4 = arith.addi %mul3A_2, %add3A_3 : i32
    %dma_start3A = arith.constant 0 : i32
    %dma_start3A_5 = arith.constant 0 : i32
    %dma_start3A_6 = tpu.memref_slice %arg5[%dma_start3A, %dma_start3A_5] : memref<3x96xi32, #tpu.memory_space<vmem>> -> memref<1x96xi32, #tpu.memory_space<vmem>>
    %dma_start3A_7 = tpu.memref_squeeze %dma_start3A_6 : memref<1x96xi32, #tpu.memory_space<vmem>> -> memref<96xi32, #tpu.memory_space<vmem>>
    %dma_start3A_8 = tpu.memref_slice %arg3[%add3A_4] : memref<9216xi32, #tpu.memory_space<hbm>> -> memref<96xi32, #tpu.memory_space<hbm>>
    %dma_start3A_9 = arith.constant 0 : i32
    %dma_start3A_10 = tpu.memref_slice %arg5[%dma_start3A, %dma_start3A_9] : memref<3x96xi32, #tpu.memory_space<vmem>> -> memref<1x96xi32, #tpu.memory_space<vmem>>
    %dma_start3A_11 = tpu.memref_squeeze %dma_start3A_10 : memref<1x96xi32, #tpu.memory_space<vmem>> -> memref<96xi32, #tpu.memory_space<vmem>>
    %dma_start3A_12 = tpu.memref_slice %arg3[%add3A_4] : memref<9216xi32, #tpu.memory_space<hbm>> -> memref<96xi32, #tpu.memory_space<hbm>>
    tpu.enqueue_dma source(%dma_start3A_12 : memref<96xi32, #tpu.memory_space<hbm>>) target(%dma_start3A_11 : memref<96xi32, #tpu.memory_space<vmem>>) target_semaphore(%arg7 : memref<!tpu.dma_semaphore, #tpu.memory_space<semaphore_mem>>)
    %add3A_13 = arith.constant 96 : i32
    %add3A_14 = arith.addi %mul3A_2, %add3A_13 : i32
    %dma_start3A_15 = arith.constant 1 : i32
    %dma_start3A_16 = arith.constant 0 : i32
    %dma_start3A_17 = tpu.memref_slice %arg5[%dma_start3A_15, %dma_start3A_16] : memref<3x96xi32, #tpu.memory_space<vmem>> -> memref<1x96xi32, #tpu.memory_space<vmem>>
    %dma_start3A_18 = tpu.memref_squeeze %dma_start3A_17 : memref<1x96xi32, #tpu.memory_space<vmem>> -> memref<96xi32, #tpu.memory_space<vmem>>
    %dma_start3A_19 = tpu.memref_slice %arg3[%add3A_14] : memref<9216xi32, #tpu.memory_space<hbm>> -> memref<96xi32, #tpu.memory_space<hbm>>
    %dma_start3A_20 = arith.constant 0 : i32
    %dma_start3A_21 = tpu.memref_slice %arg5[%dma_start3A_15, %dma_start3A_20] : memref<3x96xi32, #tpu.memory_space<vmem>> -> memref<1x96xi32, #tpu.memory_space<vmem>>
    %dma_start3A_22 = tpu.memref_squeeze %dma_start3A_21 : memref<1x96xi32, #tpu.memory_space<vmem>> -> memref<96xi32, #tpu.memory_space<vmem>>
    %dma_start3A_23 = tpu.memref_slice %arg3[%add3A_14] : memref<9216xi32, #tpu.memory_space<hbm>> -> memref<96xi32, #tpu.memory_space<hbm>>
    tpu.enqueue_dma source(%dma_start3A_23 : memref<96xi32, #tpu.memory_space<hbm>>) target(%dma_start3A_22 : memref<96xi32, #tpu.memory_space<vmem>>) target_semaphore(%arg7 : memref<!tpu.dma_semaphore, #tpu.memory_space<semaphore_mem>>)
    %add3A_24 = arith.constant 192 : i32
    %add3A_25 = arith.addi %mul3A_2, %add3A_24 : i32
    %dma_start3A_26 = arith.constant 2 : i32
    %dma_start3A_27 = arith.constant 0 : i32
    %dma_start3A_28 = tpu.memref_slice %arg5[%dma_start3A_26, %dma_start3A_27] : memref<3x96xi32, #tpu.memory_space<vmem>> -> memref<1x96xi32, #tpu.memory_space<vmem>>
    %dma_start3A_29 = tpu.memref_squeeze %dma_start3A_28 : memref<1x96xi32, #tpu.memory_space<vmem>> -> memref<96xi32, #tpu.memory_space<vmem>>
    %dma_start3A_30 = tpu.memref_slice %arg3[%add3A_25] : memref<9216xi32, #tpu.memory_space<hbm>> -> memref<96xi32, #tpu.memory_space<hbm>>
    %dma_start3A_31 = arith.constant 0 : i32
    %dma_start3A_32 = tpu.memref_slice %arg5[%dma_start3A_26, %dma_start3A_31] : memref<3x96xi32, #tpu.memory_space<vmem>> -> memref<1x96xi32, #tpu.memory_space<vmem>>
    %dma_start3A_33 = tpu.memref_squeeze %dma_start3A_32 : memref<1x96xi32, #tpu.memory_space<vmem>> -> memref<96xi32, #tpu.memory_space<vmem>>
    %dma_start3A_34 = tpu.memref_slice %arg3[%add3A_25] : memref<9216xi32, #tpu.memory_space<hbm>> -> memref<96xi32, #tpu.memory_space<hbm>>
    tpu.enqueue_dma source(%dma_start3A_34 : memref<96xi32, #tpu.memory_space<hbm>>) target(%dma_start3A_33 : memref<96xi32, #tpu.memory_space<vmem>>) target_semaphore(%arg7 : memref<!tpu.dma_semaphore, #tpu.memory_space<semaphore_mem>>)
    %dma_wait3A = arith.constant 0 : i32
    %dma_wait3A_35 = arith.constant 0 : i32
    %dma_wait3A_36 = tpu.memref_slice %arg5[%dma_wait3A, %dma_wait3A_35] : memref<3x96xi32, #tpu.memory_space<vmem>> -> memref<1x96xi32, #tpu.memory_space<vmem>>
    %dma_wait3A_37 = tpu.memref_squeeze %dma_wait3A_36 : memref<1x96xi32, #tpu.memory_space<vmem>> -> memref<96xi32, #tpu.memory_space<vmem>>
    %dma_wait3A_38 = tpu.memref_slice %arg3[%add3A_4] : memref<9216xi32, #tpu.memory_space<hbm>> -> memref<96xi32, #tpu.memory_space<hbm>>
    %dma_wait3A_39 = arith.constant 0 : i32
    %dma_wait3A_40 = tpu.memref_slice %arg5[%dma_wait3A, %dma_wait3A_39] : memref<3x96xi32, #tpu.memory_space<vmem>> -> memref<1x96xi32, #tpu.memory_space<vmem>>
    %dma_wait3A_41 = tpu.memref_squeeze %dma_wait3A_40 : memref<1x96xi32, #tpu.memory_space<vmem>> -> memref<96xi32, #tpu.memory_space<vmem>>
    %dma_wait3A_42 = tpu.memref_slice %arg3[%add3A_4] : memref<9216xi32, #tpu.memory_space<hbm>> -> memref<96xi32, #tpu.memory_space<hbm>>
    tpu.wait_dma2 semaphore(%arg7 : memref<!tpu.dma_semaphore, #tpu.memory_space<semaphore_mem>>) src(%dma_wait3A_42 : memref<96xi32, #tpu.memory_space<hbm>>) dst(%dma_wait3A_41 : memref<96xi32, #tpu.memory_space<vmem>>)
    %dma_wait3A_43 = arith.constant 1 : i32
    %dma_wait3A_44 = arith.constant 0 : i32
    %dma_wait3A_45 = tpu.memref_slice %arg5[%dma_wait3A_43, %dma_wait3A_44] : memref<3x96xi32, #tpu.memory_space<vmem>> -> memref<1x96xi32, #tpu.memory_space<vmem>>
    %dma_wait3A_46 = tpu.memref_squeeze %dma_wait3A_45 : memref<1x96xi32, #tpu.memory_space<vmem>> -> memref<96xi32, #tpu.memory_space<vmem>>
    %dma_wait3A_47 = tpu.memref_slice %arg3[%add3A_14] : memref<9216xi32, #tpu.memory_space<hbm>> -> memref<96xi32, #tpu.memory_space<hbm>>
    %dma_wait3A_48 = arith.constant 0 : i32
    %dma_wait3A_49 = tpu.memref_slice %arg5[%dma_wait3A_43, %dma_wait3A_48] : memref<3x96xi32, #tpu.memory_space<vmem>> -> memref<1x96xi32, #tpu.memory_space<vmem>>
    %dma_wait3A_50 = tpu.memref_squeeze %dma_wait3A_49 : memref<1x96xi32, #tpu.memory_space<vmem>> -> memref<96xi32, #tpu.memory_space<vmem>>
    %dma_wait3A_51 = tpu.memref_slice %arg3[%add3A_14] : memref<9216xi32, #tpu.memory_space<hbm>> -> memref<96xi32, #tpu.memory_space<hbm>>
    tpu.wait_dma2 semaphore(%arg7 : memref<!tpu.dma_semaphore, #tpu.memory_space<semaphore_mem>>) src(%dma_wait3A_51 : memref<96xi32, #tpu.memory_space<hbm>>) dst(%dma_wait3A_50 : memref<96xi32, #tpu.memory_space<vmem>>)
    %dma_wait3A_52 = arith.constant 2 : i32
    %dma_wait3A_53 = arith.constant 0 : i32
    %dma_wait3A_54 = tpu.memref_slice %arg5[%dma_wait3A_52, %dma_wait3A_53] : memref<3x96xi32, #tpu.memory_space<vmem>> -> memref<1x96xi32, #tpu.memory_space<vmem>>
    %dma_wait3A_55 = tpu.memref_squeeze %dma_wait3A_54 : memref<1x96xi32, #tpu.memory_space<vmem>> -> memref<96xi32, #tpu.memory_space<vmem>>
    %dma_wait3A_56 = tpu.memref_slice %arg3[%add3A_25] : memref<9216xi32, #tpu.memory_space<hbm>> -> memref<96xi32, #tpu.memory_space<hbm>>
    %dma_wait3A_57 = arith.constant 0 : i32
    %dma_wait3A_58 = tpu.memref_slice %arg5[%dma_wait3A_52, %dma_wait3A_57] : memref<3x96xi32, #tpu.memory_space<vmem>> -> memref<1x96xi32, #tpu.memory_space<vmem>>
    %dma_wait3A_59 = tpu.memref_squeeze %dma_wait3A_58 : memref<1x96xi32, #tpu.memory_space<vmem>> -> memref<96xi32, #tpu.memory_space<vmem>>
    %dma_wait3A_60 = tpu.memref_slice %arg3[%add3A_25] : memref<9216xi32, #tpu.memory_space<hbm>> -> memref<96xi32, #tpu.memory_space<hbm>>
    tpu.wait_dma2 semaphore(%arg7 : memref<!tpu.dma_semaphore, #tpu.memory_space<semaphore_mem>>) src(%dma_wait3A_60 : memref<96xi32, #tpu.memory_space<hbm>>) dst(%dma_wait3A_59 : memref<96xi32, #tpu.memory_space<vmem>>)
    %dma_start3A_61 = arith.constant 0 : i32
    %dma_start3A_62 = arith.constant 0 : i32
    %dma_start3A_63 = arith.constant 0 : i32
    %dma_start3A_64 = tpu.memref_slice %arg6[%dma_start3A_62, %dma_start3A_63] : memref<288x256xf32, #tpu.memory_space<vmem>> -> memref<96x256xf32, #tpu.memory_space<vmem>>
    %dma_start3A_65 = arith.constant 0 : i32
    %dma_start3A_66 = tpu.memref_slice %arg5[%dma_start3A_61, %dma_start3A_65] : memref<3x96xi32, #tpu.memory_space<vmem>> -> memref<1x96xi32, #tpu.memory_space<vmem>>
    %dma_start3A_67 = tpu.memref_squeeze %dma_start3A_66 : memref<1x96xi32, #tpu.memory_space<vmem>> -> memref<96xi32, #tpu.memory_space<vmem>>
    %dma_start3A_68 = arith.constant 0 : i32
    %dma_start3A_69 = arith.constant 0 : i32
    %dma_start3A_70 = tpu.memref_slice %arg2[%dma_start3A_68, %dma_start3A_69] : memref<1024x256xf32, #tpu.memory_space<hbm>> -> memref<1024x256xf32, #tpu.memory_space<hbm>>
    tpu.enqueue_indirect_dma source(%dma_start3A_70 : memref<1024x256xf32, #tpu.memory_space<hbm>>) target(%dma_start3A_64 : memref<96x256xf32, #tpu.memory_space<vmem>>) offsets(%dma_start3A_67 : memref<96xi32, #tpu.memory_space<vmem>>) semaphore(%arg8 : memref<!tpu.dma_semaphore, #tpu.memory_space<semaphore_mem>>)
    %dma_start3A_71 = arith.constant 1 : i32
    %dma_start3A_72 = arith.constant 96 : i32
    %dma_start3A_73 = arith.constant 0 : i32
    %dma_start3A_74 = tpu.memref_slice %arg6[%dma_start3A_72, %dma_start3A_73] : memref<288x256xf32, #tpu.memory_space<vmem>> -> memref<96x256xf32, #tpu.memory_space<vmem>>
    %dma_start3A_75 = arith.constant 0 : i32
    %dma_start3A_76 = tpu.memref_slice %arg5[%dma_start3A_71, %dma_start3A_75] : memref<3x96xi32, #tpu.memory_space<vmem>> -> memref<1x96xi32, #tpu.memory_space<vmem>>
    %dma_start3A_77 = tpu.memref_squeeze %dma_start3A_76 : memref<1x96xi32, #tpu.memory_space<vmem>> -> memref<96xi32, #tpu.memory_space<vmem>>
    %dma_start3A_78 = arith.constant 0 : i32
    %dma_start3A_79 = arith.constant 0 : i32
    %dma_start3A_80 = tpu.memref_slice %arg2[%dma_start3A_78, %dma_start3A_79] : memref<1024x256xf32, #tpu.memory_space<hbm>> -> memref<1024x256xf32, #tpu.memory_space<hbm>>
    tpu.enqueue_indirect_dma source(%dma_start3A_80 : memref<1024x256xf32, #tpu.memory_space<hbm>>) target(%dma_start3A_74 : memref<96x256xf32, #tpu.memory_space<vmem>>) offsets(%dma_start3A_77 : memref<96xi32, #tpu.memory_space<vmem>>) semaphore(%arg8 : memref<!tpu.dma_semaphore, #tpu.memory_space<semaphore_mem>>)
    %dma_start3A_81 = arith.constant 2 : i32
    %dma_start3A_82 = arith.constant 192 : i32
    %dma_start3A_83 = arith.constant 0 : i32
    %dma_start3A_84 = tpu.memref_slice %arg6[%dma_start3A_82, %dma_start3A_83] : memref<288x256xf32, #tpu.memory_space<vmem>> -> memref<96x256xf32, #tpu.memory_space<vmem>>
    %dma_start3A_85 = arith.constant 0 : i32
    %dma_start3A_86 = tpu.memref_slice %arg5[%dma_start3A_81, %dma_start3A_85] : memref<3x96xi32, #tpu.memory_space<vmem>> -> memref<1x96xi32, #tpu.memory_space<vmem>>
    %dma_start3A_87 = tpu.memref_squeeze %dma_start3A_86 : memref<1x96xi32, #tpu.memory_space<vmem>> -> memref<96xi32, #tpu.memory_space<vmem>>
    %dma_start3A_88 = arith.constant 0 : i32
    %dma_start3A_89 = arith.constant 0 : i32
    %dma_start3A_90 = tpu.memref_slice %arg2[%dma_start3A_88, %dma_start3A_89] : memref<1024x256xf32, #tpu.memory_space<hbm>> -> memref<1024x256xf32, #tpu.memory_space<hbm>>
    tpu.enqueue_indirect_dma source(%dma_start3A_90 : memref<1024x256xf32, #tpu.memory_space<hbm>>) target(%dma_start3A_84 : memref<96x256xf32, #tpu.memory_space<vmem>>) offsets(%dma_start3A_87 : memref<96xi32, #tpu.memory_space<vmem>>) semaphore(%arg8 : memref<!tpu.dma_semaphore, #tpu.memory_space<semaphore_mem>>)
    %dma_wait3A_91 = arith.constant 0 : i32
    %dma_wait3A_92 = arith.constant 0 : i32
    %dma_wait3A_93 = arith.constant 0 : i32
    %dma_wait3A_94 = tpu.memref_slice %arg6[%dma_wait3A_92, %dma_wait3A_93] : memref<288x256xf32, #tpu.memory_space<vmem>> -> memref<96x256xf32, #tpu.memory_space<vmem>>
    %dma_wait3A_95 = arith.constant 0 : i32
    %dma_wait3A_96 = tpu.memref_slice %arg5[%dma_wait3A_91, %dma_wait3A_95] : memref<3x96xi32, #tpu.memory_space<vmem>> -> memref<1x96xi32, #tpu.memory_space<vmem>>
    %dma_wait3A_97 = tpu.memref_squeeze %dma_wait3A_96 : memref<1x96xi32, #tpu.memory_space<vmem>> -> memref<96xi32, #tpu.memory_space<vmem>>
    %dma_wait3A_98 = arith.constant 0 : i32
    %dma_wait3A_99 = arith.constant 0 : i32
    %dma_wait3A_100 = tpu.memref_slice %arg2[%dma_wait3A_98, %dma_wait3A_99] : memref<1024x256xf32, #tpu.memory_space<hbm>> -> memref<1024x256xf32, #tpu.memory_space<hbm>>
    tpu.wait_indirect_dma semaphore(%arg8 : memref<!tpu.dma_semaphore, #tpu.memory_space<semaphore_mem>>) src(%dma_wait3A_100 : memref<1024x256xf32, #tpu.memory_space<hbm>>) dst(%dma_wait3A_94 : memref<96x256xf32, #tpu.memory_space<vmem>>)
    %dma_wait3A_101 = arith.constant 1 : i32
    %dma_wait3A_102 = arith.constant 96 : i32
    %dma_wait3A_103 = arith.constant 0 : i32
    %dma_wait3A_104 = tpu.memref_slice %arg6[%dma_wait3A_102, %dma_wait3A_103] : memref<288x256xf32, #tpu.memory_space<vmem>> -> memref<96x256xf32, #tpu.memory_space<vmem>>
    %dma_wait3A_105 = arith.constant 0 : i32
    %dma_wait3A_106 = tpu.memref_slice %arg5[%dma_wait3A_101, %dma_wait3A_105] : memref<3x96xi32, #tpu.memory_space<vmem>> -> memref<1x96xi32, #tpu.memory_space<vmem>>
    %dma_wait3A_107 = tpu.memref_squeeze %dma_wait3A_106 : memref<1x96xi32, #tpu.memory_space<vmem>> -> memref<96xi32, #tpu.memory_space<vmem>>
    %dma_wait3A_108 = arith.constant 0 : i32
    %dma_wait3A_109 = arith.constant 0 : i32
    %dma_wait3A_110 = tpu.memref_slice %arg2[%dma_wait3A_108, %dma_wait3A_109] : memref<1024x256xf32, #tpu.memory_space<hbm>> -> memref<1024x256xf32, #tpu.memory_space<hbm>>
    tpu.wait_indirect_dma semaphore(%arg8 : memref<!tpu.dma_semaphore, #tpu.memory_space<semaphore_mem>>) src(%dma_wait3A_110 : memref<1024x256xf32, #tpu.memory_space<hbm>>) dst(%dma_wait3A_104 : memref<96x256xf32, #tpu.memory_space<vmem>>)
    %dma_wait3A_111 = arith.constant 2 : i32
    %dma_wait3A_112 = arith.constant 192 : i32
    %dma_wait3A_113 = arith.constant 0 : i32
    %dma_wait3A_114 = tpu.memref_slice %arg6[%dma_wait3A_112, %dma_wait3A_113] : memref<288x256xf32, #tpu.memory_space<vmem>> -> memref<96x256xf32, #tpu.memory_space<vmem>>
    %dma_wait3A_115 = arith.constant 0 : i32
    %dma_wait3A_116 = tpu.memref_slice %arg5[%dma_wait3A_111, %dma_wait3A_115] : memref<3x96xi32, #tpu.memory_space<vmem>> -> memref<1x96xi32, #tpu.memory_space<vmem>>
    %dma_wait3A_117 = tpu.memref_squeeze %dma_wait3A_116 : memref<1x96xi32, #tpu.memory_space<vmem>> -> memref<96xi32, #tpu.memory_space<vmem>>
    %dma_wait3A_118 = arith.constant 0 : i32
    %dma_wait3A_119 = arith.constant 0 : i32
    %dma_wait3A_120 = tpu.memref_slice %arg2[%dma_wait3A_118, %dma_wait3A_119] : memref<1024x256xf32, #tpu.memory_space<hbm>> -> memref<1024x256xf32, #tpu.memory_space<hbm>>
    tpu.wait_indirect_dma semaphore(%arg8 : memref<!tpu.dma_semaphore, #tpu.memory_space<semaphore_mem>>) src(%dma_wait3A_120 : memref<1024x256xf32, #tpu.memory_space<hbm>>) dst(%dma_wait3A_114 : memref<96x256xf32, #tpu.memory_space<vmem>>)
    "tpu.region"() ({
      %run_scoped3A = tpu.sem_alloc : memref<!tpu.dma_semaphore, #tpu.memory_space<semaphore_mem>>
      %dma_start3A_121 = arith.constant 0 : i32
      %dma_start3A_122 = tpu.memref_slice %arg4[%mul3A_2, %dma_start3A_121] : memref<9216x256xf32, #tpu.memory_space<hbm>> -> memref<288x256xf32, #tpu.memory_space<hbm>>
      %dma_start3A_123 = arith.constant 0 : i32
      %dma_start3A_124 = tpu.memref_slice %arg4[%mul3A_2, %dma_start3A_123] : memref<9216x256xf32, #tpu.memory_space<hbm>> -> memref<288x256xf32, #tpu.memory_space<hbm>>
      tpu.enqueue_dma source(%arg6 : memref<288x256xf32, #tpu.memory_space<vmem>>) target(%dma_start3A_124 : memref<288x256xf32, #tpu.memory_space<hbm>>) target_semaphore(%run_scoped3A : memref<!tpu.dma_semaphore, #tpu.memory_space<semaphore_mem>>)
      %dma_wait3A_125 = arith.constant 0 : i32
      %dma_wait3A_126 = tpu.memref_slice %arg4[%mul3A_2, %dma_wait3A_125] : memref<9216x256xf32, #tpu.memory_space<hbm>> -> memref<288x256xf32, #tpu.memory_space<hbm>>
      %dma_wait3A_127 = arith.constant 0 : i32
      %dma_wait3A_128 = tpu.memref_slice %arg4[%mul3A_2, %dma_wait3A_127] : memref<9216x256xf32, #tpu.memory_space<hbm>> -> memref<288x256xf32, #tpu.memory_space<hbm>>
      tpu.wait_dma2 semaphore(%run_scoped3A : memref<!tpu.dma_semaphore, #tpu.memory_space<semaphore_mem>>) src(%arg6 : memref<288x256xf32, #tpu.memory_space<vmem>>) dst(%dma_wait3A_128 : memref<288x256xf32, #tpu.memory_space<hbm>>)
      tpu.yield
    }) : () -> ()
    return
  }
}

module attributes {stable_mosaic.version = 14 : i64} {
  func.func @_mq_tc_kernel(%arg0: i32, %arg1: memref<3072x256xf32, #tpu.memory_space<vmem>>, %arg2: memref<256x1024xf32, #tpu.memory_space<vmem>>, %arg3: memref<3072x1xi32, #tpu.memory_space<vmem>>, %arg4: memref<3072x1024xf32, #tpu.memory_space<vmem>>, %arg5: memref<1x1xf32, #tpu.memory_space<vmem>>, %arg6: memref<1x1024xf32, #tpu.memory_space<vmem>>) attributes {dimension_semantics = [#tpu.dimension_semantics<arbitrary>], iteration_bounds = array<i64: 3>, scalar_prefetch = 0 : i64, scratch_operands = 1 : i64, tpu.core_type = #tpu.core_type<tc>, window_params = [{transform_indices = @transform_0, window_bounds = array<i64: 3072, 256>}, {pipeline_mode = #tpu.pipeline_mode<synchronous>, transform_indices = @transform_1, window_bounds = array<i64: 256, 1024>}, {transform_indices = @transform_2, window_bounds = array<i64: 3072, 1>}, {transform_indices = @transform_3, window_bounds = array<i64: 3072, 1024>}, {pipeline_mode = #tpu.pipeline_mode<synchronous>, transform_indices = @transform_4, window_bounds = array<i64: 1, 1>}]} {
    %get3A = arith.constant 0 : index
    %get3A_0 = arith.constant 0 : index
    %get3A_1 = vector.load %arg1[%get3A, %get3A_0] : memref<3072x256xf32, #tpu.memory_space<vmem>>, vector<3072x256xf32>
    %get3A_2 = arith.constant 0 : index
    %get3A_3 = arith.constant 0 : index
    %get3A_4 = vector.load %arg2[%get3A_2, %get3A_3] : memref<256x1024xf32, #tpu.memory_space<vmem>>, vector<256x1024xf32>
    %dot_general3A = arith.constant dense<0.000000e+00> : vector<3072x1024xf32>
    %dot_general3A_5 = tpu.matmul %get3A_1, %get3A_4, %dot_general3A {dimension_numbers = #tpu.dot_dimension_numbers<[1], [0], [0], [1], [0, 0, 1, 1], [], []>, transpose_lhs_hint = false} : vector<3072x256xf32>, vector<256x1024xf32>, vector<3072x1024xf32> -> vector<3072x1024xf32>
    %mul3A = arith.mulf %get3A_1, %get3A_1 : vector<3072x256xf32>
    %reduce_sum3A = arith.constant dense<0.000000e+00> : vector<3072xf32>
    %reduce_sum3A_6 = vector.multi_reduction <add>, %mul3A, %reduce_sum3A [1] : vector<3072x256xf32> to vector<3072xf32>
    %broadcast_in_dim3A = vector.shape_cast %reduce_sum3A_6 : vector<3072xf32> to vector<3072x1xf32>
    %mul3A_7 = arith.mulf %get3A_4, %get3A_4 : vector<256x1024xf32>
    %reduce_sum3A_8 = arith.constant dense<0.000000e+00> : vector<1024xf32>
    %reduce_sum3A_9 = vector.multi_reduction <add>, %mul3A_7, %reduce_sum3A_8 [0] : vector<256x1024xf32> to vector<1024xf32>
    %broadcast_in_dim3A_10 = vector.shape_cast %reduce_sum3A_9 : vector<1024xf32> to vector<1x1024xf32>
    %add3A = vector.broadcast %broadcast_in_dim3A : vector<3072x1xf32> to vector<3072x1024xf32>
    %add3A_11 = vector.broadcast %broadcast_in_dim3A_10 : vector<1x1024xf32> to vector<3072x1024xf32>
    %add3A_12 = arith.addf %add3A, %add3A_11 : vector<3072x1024xf32>
    %mul3A_13 = arith.constant 2.000000e+00 : f32
    %mul3A_14 = vector.broadcast %mul3A_13 : f32 to vector<3072x1024xf32>
    %mul3A_15 = arith.mulf %mul3A_14, %dot_general3A_5 : vector<3072x1024xf32>
    %sub3A = arith.subf %add3A_12, %mul3A_15 : vector<3072x1024xf32>
    %argmin3A = tpu.reduce_index %sub3A {axis = 1 : i32, kind = #tpu.reduction_kind<arg_min>} : vector<3072x1024xf32> -> vector<3072xi32>
    %broadcast_in_dim3A_16 = vector.shape_cast %argmin3A : vector<3072xi32> to vector<3072x1xi32>
    %swap3A = arith.constant 0 : index
    %swap3A_17 = arith.constant 0 : index
    %swap3A_18 = vector.load %arg3[%swap3A, %swap3A_17] : memref<3072x1xi32, #tpu.memory_space<vmem>>, vector<3072x1xi32>
    tpu.vector_store %arg3[%swap3A, %swap3A_17], %broadcast_in_dim3A_16 {strides = array<i32>} : memref<3072x1xi32, #tpu.memory_space<vmem>>, vector<3072x1xi32>,
    %iota3A = tpu.iota {dimensions = array<i32: 1>} : vector<3072x1024xi32>
    %broadcast_in_dim3A_19 = vector.shape_cast %argmin3A : vector<3072xi32> to vector<3072x1xi32>
    %eq3A = vector.broadcast %broadcast_in_dim3A_19 : vector<3072x1xi32> to vector<3072x1024xi32>
    %eq3A_20 = arith.cmpi eq, %iota3A, %eq3A : vector<3072x1024xi32>
    %convert_element_type3A = arith.extui %eq3A_20 : vector<3072x1024xi1> to vector<3072x1024xi32>
    %convert_element_type3A_21 = arith.sitofp %convert_element_type3A : vector<3072x1024xi32> to vector<3072x1024xf32>
    %swap3A_22 = arith.constant 0 : index
    %swap3A_23 = arith.constant 0 : index
    %swap3A_24 = vector.load %arg4[%swap3A_22, %swap3A_23] : memref<3072x1024xf32, #tpu.memory_space<vmem>>, vector<3072x1024xf32>
    tpu.vector_store %arg4[%swap3A_22, %swap3A_23], %convert_element_type3A_21 {strides = array<i32>} : memref<3072x1024xf32, #tpu.memory_space<vmem>>, vector<3072x1024xf32>,
    %reduce_sum3A_25 = arith.constant dense<0.000000e+00> : vector<1024xf32>
    %reduce_sum3A_26 = vector.multi_reduction <add>, %convert_element_type3A_21, %reduce_sum3A_25 [0] : vector<3072x1024xf32> to vector<1024xf32>
    %broadcast_in_dim3A_27 = vector.shape_cast %reduce_sum3A_26 : vector<1024xf32> to vector<1x1024xf32>
    %eq3A_28 = arith.constant 0 : i32
    %eq3A_29 = arith.cmpi eq, %arg0, %eq3A_28 : i32
    %convert_element_type3A_30 = arith.extui %eq3A_29 : i1 to i32
    %cond3A = arith.constant 0 : i32
    %cond3A_31 = arith.cmpi ne, %convert_element_type3A_30, %cond3A : i32
    scf.if %cond3A_31 {
      %swap3A_41 = arith.constant 0 : index
      %swap3A_42 = arith.constant 0 : index
      %swap3A_43 = vector.load %arg6[%swap3A_41, %swap3A_42] : memref<1x1024xf32, #tpu.memory_space<vmem>>, vector<1x1024xf32>
      tpu.vector_store %arg6[%swap3A_41, %swap3A_42], %broadcast_in_dim3A_27 {strides = array<i32>} : memref<1x1024xf32, #tpu.memory_space<vmem>>, vector<1x1024xf32>,
    } else {
    }
    %gt3A = arith.constant 0 : i32
    %gt3A_32 = arith.cmpi sgt, %arg0, %gt3A : i32
    %convert_element_type3A_33 = arith.extui %gt3A_32 : i1 to i32
    %cond3A_34 = arith.constant 0 : i32
    %cond3A_35 = arith.cmpi ne, %convert_element_type3A_33, %cond3A_34 : i32
    scf.if %cond3A_35 {
      %get3A_41 = arith.constant 0 : index
      %get3A_42 = arith.constant 0 : index
      %get3A_43 = vector.load %arg6[%get3A_41, %get3A_42] : memref<1x1024xf32, #tpu.memory_space<vmem>>, vector<1x1024xf32>
      %add3A_44 = arith.addf %get3A_43, %broadcast_in_dim3A_27 : vector<1x1024xf32>
      %swap3A_45 = arith.constant 0 : index
      %swap3A_46 = arith.constant 0 : index
      %swap3A_47 = vector.load %arg6[%swap3A_45, %swap3A_46] : memref<1x1024xf32, #tpu.memory_space<vmem>>, vector<1x1024xf32>
      tpu.vector_store %arg6[%swap3A_45, %swap3A_46], %add3A_44 {strides = array<i32>} : memref<1x1024xf32, #tpu.memory_space<vmem>>, vector<1x1024xf32>,
    } else {
    }
    %eq3A_36 = arith.constant 2 : i32
    %eq3A_37 = arith.cmpi eq, %arg0, %eq3A_36 : i32
    %convert_element_type3A_38 = arith.extui %eq3A_37 : i1 to i32
    %cond3A_39 = arith.constant 0 : i32
    %cond3A_40 = arith.cmpi ne, %convert_element_type3A_38, %cond3A_39 : i32
    scf.if %cond3A_40 {
      %get3A_41 = arith.constant 0 : index
      %get3A_42 = arith.constant 0 : index
      %get3A_43 = vector.load %arg6[%get3A_41, %get3A_42] : memref<1x1024xf32, #tpu.memory_space<vmem>>, vector<1x1024xf32>
      %div3A = arith.constant 9.216000e+03 : f32
      %div3A_44 = vector.broadcast %div3A : f32 to vector<1x1024xf32>
      %div3A_45 = arith.divf %get3A_43, %div3A_44 : vector<1x1024xf32>
      %add3A_46 = arith.constant 1.000000e-10 : f32
      %add3A_47 = vector.broadcast %add3A_46 : f32 to vector<1x1024xf32>
      %add3A_48 = arith.addf %div3A_45, %add3A_47 : vector<1x1024xf32>
      %log3A = math.log %add3A_48 : vector<1x1024xf32>
      %mul3A_49 = arith.mulf %div3A_45, %log3A : vector<1x1024xf32>
      %reduce_sum3A_50 = arith.constant dense<0.000000e+00> : vector<1xf32>
      %reduce_sum3A_51 = vector.multi_reduction <add>, %mul3A_49, %reduce_sum3A_50 [1] : vector<1x1024xf32> to vector<1xf32>
      %broadcast_in_dim3A_52 = vector.shape_cast %reduce_sum3A_51 : vector<1xf32> to vector<1x1xf32>
      %neg3A = arith.constant 0.000000e+00 : f32
      %neg3A_53 = vector.broadcast %neg3A : f32 to vector<1x1xf32>
      %neg3A_54 = arith.subf %neg3A_53, %broadcast_in_dim3A_52 : vector<1x1xf32>
      %exp3A = math.exp %neg3A_54 : vector<1x1xf32>
      %swap3A_55 = arith.constant 0 : index
      %swap3A_56 = arith.constant 0 : index
      %swap3A_57 = vector.load %arg5[%swap3A_55, %swap3A_56] : memref<1x1xf32, #tpu.memory_space<vmem>>, vector<1x1xf32>
      tpu.vector_store %arg5[%swap3A_55, %swap3A_56], %exp3A {strides = array<i32>} : memref<1x1xf32, #tpu.memory_space<vmem>>, vector<1x1xf32>,
    } else {
    }
    return
  }
  func.func @transform_0(%arg0: i32) -> (i32, i32) {
    %c0_i32 = arith.constant 0 : i32
    %c0_i32_0 = arith.constant 0 : i32
    return %arg0, %c0_i32 : i32, i32
  }
  func.func @transform_1(%arg0: i32) -> (i32, i32) {
    %c0_i32 = arith.constant 0 : i32
    %c0_i32_0 = arith.constant 0 : i32
    %c0_i32_1 = arith.constant 0 : i32
    return %c0_i32, %c0_i32_0 : i32, i32
  }
  func.func @transform_2(%arg0: i32) -> (i32, i32) {
    %c0_i32 = arith.constant 0 : i32
    %c0_i32_0 = arith.constant 0 : i32
    return %arg0, %c0_i32 : i32, i32
  }
  func.func @transform_3(%arg0: i32) -> (i32, i32) {
    %c0_i32 = arith.constant 0 : i32
    %c0_i32_0 = arith.constant 0 : i32
    return %arg0, %c0_i32 : i32, i32
  }
  func.func @transform_4(%arg0: i32) -> (i32, i32) {
    %c0_i32 = arith.constant 0 : i32
    %c0_i32_0 = arith.constant 0 : i32
    %c0_i32_1 = arith.constant 0 : i32
    return %c0_i32, %c0_i32_0 : i32, i32
  }
}

</mosaic_0001>

<sc_bundles>
// kernel: kernel.4.cloned.1.call-start
scs
__scs_entry_jumppad:
0x0: {  	(pc) =	sbr.rel $0x88, $3  }
0x1: {  	(tag) =	ssettag $0x0;
	lr =	simm.s32 $0x1  }
0x2: {  	[smem:$0x3F9F] =	sst lr;
	_ =	strace $0xD0000000  }
0x3: {  	_ = 	snop  }
0x4: {  	_ = 	snop  }
0x5: {  	_ = 	snop  }
0x6: {  	_ = 	snop  }
0x7: {  	_ = 	snop  }
__scs_overlays_trampoline_lowered:
0x8: {  	[smem:$0x3FAE] =	sst s0  }
0x9: {  	[smem:$0x3FAF] =	sst s1  }
0xa: {  	[smem:$0x3FB0] =	sst s2  }
0xb: {  	[smem:$0x3FB1] =	sst s3  }
0xc: {  	[smem:$0x3FB2] =	sst s4  }
0xd: {  	[smem:$0x3FB3] =	sst s5  }
0xe: {  	[smem:$0x3FB4] =	sst s6  }
0xf: {  	[smem:$0x3FB5] =	sst s7  }
0x10: {  	[smem:$0x3FB6] =	sst s8  }
0x11: {  	[smem:$0x3FB7] =	sst s9;
	s0 =	simm.s32 @!p0 $0x0  }
0x12: {  	s1 =	sld [smem:$0x3F9D];
	s0 =	simm.s32 @p0 $0x1  }
0x13: {  	[smem:$0x3FB8] =	sst s0;
	s0 =	simm.s32 @!p1 $0x0  }
0x14: {  	s2 =	sld [smem:$0x3F9C];
	s0 =	simm.s32 @p1 $0x1  }
0x15: {  	[smem:$0x3FB9] =	sst s0;
	s0 =	simm.s32 @!p2 $0x0  }
0x16: {  	s3 =	sld [smem:$0x3FDB];
	s0 =	simm.s32 @p2 $0x1  }
0x17: {  	s4 =	simm.s32 $0x1BF5;
	[smem:$0x3FBB] =	sst s0  }
0x18: {  	s0 =	sld [smem:$0x3F9E];
	_ =	swait.ge [sflag:s4], $0x0  }
0x19: {  	s7 =	sld [smem:$0x3F9F]  }
0x1a: {  	s8 =	sadd.s32 $0xFFFFE003, lr  }
0x1b: {  	s9 =	sadd.s32 $0xFFFFFEF7, lr;
	s5 =	simm.s32 $0xFFFFFFFF;
	p2 =	slt.u32 s8, $0xFFFFF086  }
0x1c: {  	p1 =	slt.u32 s9, $0xF7A;
	s5 =	simm.s32 @!p2 $0x0  }
0x1d: {  	s5 =	simm.s32 @p1 $0x1;
	p0 =	seq.s32 s7, s2  }
0x1e: {  	s7 =	smul.u32 @!p0 $0xF7A, s2;
	p2 =	seq.s32 @!p0 s5, $0x0  }
0x1f: {  	s9 =	smul.u32 $0xF7A, s1;
	s8 =	simm.s32 @!p0 $0x1BF5;
	p2 =	por !p2, p0  }
0x20: {  	[sflag:s8] =	ssyncset.s32 @!p0 $0xFFFFF086;
	s6 =	sadd.s32 @!p0 s3, s7;
	s7 =	simm.s32 @!p0 $0x108  }
0x21: {  	s3 =	sadd.s32 s3, s9;
	s6 =	sadd.s32 @!p0 $0x88, s6;
	s7 =	simm.s32 @p2 $0x1082  }
0x22: {  	[simem:s7], [sflag:s8] =	dma.local @!p0 [hbm:s6], $0xF7A  }
0x23: {  	s9 =	sor.u32 $0xD0000000, s2;
	s6 =	simm.s32 $0x108;
	_ =	swait.ge @!p0 [sflag:s8], $0x0  }
0x24: {  	s3 =	sadd.s32 $0x88, s3;
	s6 =	simm.s32 @!p1 $0x1082;
	[sflag:s4] =	ssyncset.s32 $0xFFFFF086  }
0x25: {  	[simem:s6], [sflag:s4] =	dma.local [hbm:s3], $0xF7A  }
0x26: {  	[smem:$0x3F9F] =	sst s1;
	(tag) =	ssettag s2;
	_ =	strace s9  }
0x27: {  	s1 =	sld [smem:$0x3FAF]  }
0x28: {  	s2 =	sld [smem:$0x3FB0]  }
0x29: {  	s4 =	sld [smem:$0x3FB2]  }
0x2a: {  	p0 =	seq.s32 s5, $0x0;
	s5 =	sld [smem:$0x3FB3]  }
0x2b: {  	s6 =	sld [smem:$0x3FB4]  }
0x2c: {  	s7 =	sld [smem:$0x3FB5]  }
0x2d: {  	s3 =	simm.s32 $0x108;
	s8 =	sld [smem:$0x3FB6]  }
0x2e: {  	s3 =	simm.s32 @!p0 $0x1082;
	s9 =	sld [smem:$0x3FB7]  }
0x2f: {  	lr =	sadd.s32 s0, s3;
	s0 =	sld [smem:$0x3FAE]  }
0x30: {  	s3 =	sld [smem:$0x3FB1]  }
0x31: {  	[smem:$0x3FBA] =	sst s10  }
0x32: {  	s10 =	sld [smem:$0x3FB8];
	_ =	sdelay $0x3  }
0x33: {  	p0 =	seq.s32 s10, $0x1;
	s10 =	sld [smem:$0x3FBA];
	_ =	sdelay $0x3  }
0x34: {  	[smem:$0x3FBA] =	sst s10  }
0x35: {  	s10 =	sld [smem:$0x3FB9];
	_ =	sdelay $0x3  }
0x36: {  	p1 =	seq.s32 s10, $0x1;
	s10 =	sld [smem:$0x3FBA];
	_ =	sdelay $0x3  }
0x37: {  	[smem:$0x3FBA] =	sst s10  }
0x38: {  	s10 =	sld [smem:$0x3FBB]  }
0x39: {  	_ = 	snop;
	(pc) =	sbr.ind lr, $3  }
0x3a: {  	_ = 	snop  }
0x3b: {  	_ = 	snop  }
0x3c: {  	p2 =	seq.s32 s10, $0x1;
	s10 =	sld [smem:$0x3FBA]  }
0x3d: {  	_ =	shalt  }
0x3e: {  	_ =	shalt  }
0x3f: {  	_ =	shalt  }
0x40: {  	_ =	shalt  }
0x41: {  	_ =	shalt  }
0x42: {  	_ =	shalt  }
0x43: {  	_ =	shalt  }
0x44: {  	_ =	shalt  }
0x45: {  	_ =	shalt  }
0x46: {  	_ =	shalt  }
0x47: {  	_ =	shalt  }
0x48: {  	_ =	shalt  }
0x49: {  	_ =	shalt  }
0x4a: {  	_ =	shalt  }
0x4b: {  	_ =	shalt  }
0x4c: {  	_ =	shalt  }
0x4d: {  	_ =	shalt  }
0x4e: {  	_ =	shalt  }
0x4f: {  	_ =	shalt  }
0x50: {  	_ =	shalt  }
0x51: {  	_ =	shalt  }
0x52: {  	_ =	shalt  }
0x53: {  	_ =	shalt  }
0x54: {  	_ =	shalt  }
0x55: {  	_ =	shalt  }
0x56: {  	_ =	shalt  }
0x57: {  	_ =	shalt  }
0x58: {  	_ =	shalt  }
0x59: {  	_ =	shalt  }
0x5a: {  	_ =	shalt  }
0x5b: {  	_ =	shalt  }
0x5c: {  	_ =	shalt  }
0x5d: {  	_ =	shalt  }
0x5e: {  	_ =	shalt  }
0x5f: {  	_ =	shalt  }
0x60: {  	_ =	shalt  }
0x61: {  	_ =	shalt  }
0x62: {  	_ =	shalt  }
0x63: {  	_ =	shalt  }
0x64: {  	_ =	shalt  }
0x65: {  	_ =	shalt  }
0x66: {  	_ =	shalt  }
0x67: {  	_ =	shalt  }
0x68: {  	_ =	shalt  }
0x69: {  	_ =	shalt  }
0x6a: {  	_ =	shalt  }
0x6b: {  	_ =	shalt  }
0x6c: {  	_ =	shalt  }
0x6d: {  	_ =	shalt  }
0x6e: {  	_ =	shalt  }
0x6f: {  	_ =	shalt  }
0x70: {  	_ =	shalt  }
0x71: {  	_ =	shalt  }
0x72: {  	_ =	shalt  }
0x73: {  	_ =	shalt  }
0x74: {  	_ =	shalt  }
0x75: {  	_ =	shalt  }
0x76: {  	_ =	shalt  }
0x77: {  	_ =	shalt  }
0x78: {  	_ =	shalt  }
0x79: {  	_ =	shalt  }
0x7a: {  	_ =	shalt  }
0x7b: {  	_ =	shalt  }
0x7c: {  	_ =	shalt  }
0x7d: {  	_ =	shalt  }
0x7e: {  	_ =	shalt  }
0x7f: {  	_ =	shalt  }
0x80: {  	_ =	shalt  }
0x81: {  	_ =	shalt  }
0x82: {  	_ =	shalt  }
0x83: {  	_ =	shalt  }
0x84: {  	_ =	shalt  }
0x85: {  	_ =	shalt  }
0x86: {  	_ =	shalt  }
0x87: {  	_ =	shalt  }
.Lfunc_end0:
.L_simem_size_0:
called_computation_lowered:
.L_overlay_start_0:
0x88: {  	s2 =	sld [smem:$0x3FD9]  }
0x89: {  	s3 =	sld [smem:$0x3FFE];
	_ =	sdelay $0x1  }
0x8a: {  	s1 =	srdreg.scid  }
0x8b: {  	s0 =	sand.u32 $0x1, s1  }
0x8c: {  	s14 =	sshll.u32 s0, $0xA;
	s2 =	sadd.s32 s3, s2  }
0x8d: {  	s2 =	sadd.s32 s2, s14  }
0x8e: {  	[smem:$0x3FC6] =	sst s2  }
0x8f: {  	_ = 	snop  }
0x90: {  	s2 =	sld [smem:$0x3FD0];
	_ =	sdelay $0x2  }
0x91: {  	s4 =	simm.s32 $0xA;
	s5 =	simm.s32 $0x10;
	s15 =	sld [smem:$0x3FC8]  }
0x92: {  	[smem:s5], [sflag:s4] =	dma.local [hbm:s2], $0x1  }
0x93: {  	_ =	swait.eq [sflag:s4], $0x1  }
0x94: {  	[sflag:s4] =	ssyncset.done $0x0  }
0x95: {  	[sflag:s4] =	ssyncadd.s32 $0xFFFFFFFF  }
0x96: {  	s16 =	sld [smem:$0x10];
	(tm) =	ssettm $0x1  }
0x97: {  	s17 =	sld [smem:$0x3FFB];
	_ =	sdelay $0x3  }
0x98: {  	_ =	strace s17  }
0x99: {  	s4 =	sld [smem:$0x3FFC];
	_ =	sdelay $0x3  }
0x9a: {  	_ =	strace s4  }
0x9b: {  	s4 =	sld [smem:$0x3FFD];
	_ =	sdelay $0x3  }
0x9c: {  	_ =	strace s4  }
0x9d: {  	_ =	strace $0x8FFFFFFF  }
0x9e: {  	s18 =	sld [smem:$0x3FDB];
	_ =	sdelay $0x1  }
0x9f: {  	s19 =	simm.s32 $_scs_section_size  }
0xa0: {  	s6 =	simm.s32 $_size__tile_overlayer_lowered;
	s7 =	simm.s32 $_tile_overlayer_lowered  }
0xa1: {  	s22 =	simm.s32 $0x1BFF;
	s21 =	sshll.u32 s7, $0x1;
	s4 =	sadd.s32 s19, s18  }
0xa2: {  	s8 =	simm.s32 $0x0;
	s20 =	sshll.u32 s6, $0x1;
	s6 =	sadd.s32 s21, s4  }
0xa3: {  	[timem:s8], [sflag:s22] =	dma.local [hbm:s6], s20  }
0xa4: {  	_ =	swait.ge [sflag:s22], s20  }
0xa5: {  	s5 =	ssub.s32 $0x0, s20;
	[sflag:s22] =	ssyncset.done $0x0  }
0xa6: {  	[sflag:s22] =	ssyncadd.s32 s5;
	_ =	sdelay $0x1  }
0xa7: {  	s23 =	simm.s32 $0x1B8B  }
0xa8: {  	_ =	swait.ge [sflag:s23], $0x1  }
0xa9: {  	[sflag:s23] =	ssyncset.done $0x0  }
0xaa: {  	s25 =	simm.s32 $0x1B8E;
	s24 =	sld [smem:$0x3FFE];
	[sflag:s23] =	ssyncadd.s32 $0xFFFFFFFF  }
0xab: {  	s26 =	simm.s32 $execute0_lowered;
	[smem:$0x3FD2] =	sst s25  }
0xac: {  	s6 =	sshll.u32 s26, $0x1;
	_ =	strace $0x80000046;
	[dreg:$0x1] =	wrdreg $0xFFFFFFFF  }
0xad: {  	s28 =	simm.s32 $_size_execute0_lowered;
	s4 =	sadd.s32 s4, s6;
	[dreg:$0x0] =	wrdreg $0x0  }
0xae: {  	s6 =	sshll.u32 s28, $0x1;
	[dreg:$0x2] =	wrdreg s4  }
0xaf: {  	[dreg:$0x3] =	wrdreg s6  }
0xb0: {  	[dreg:$0x4] =	wrdreg $0xC0  }
0xb1: {  	_ =	task [dreg:s8], $0x5FFFF  }
0xb2: {  	[dreg:$0x1] =	wrdreg $0xFFFFFFFF  }
0xb3: {  	[dreg:$0x0] =	wrdreg $0x60  }
0xb4: {  	[dreg:$0x2] =	wrdreg s15  }
0xb5: {  	[dreg:$0x3] =	wrdreg s24  }
0xb6: {  	[dreg:$0x4] =	wrdreg s16  }
0xb7: {  	[dreg:$0x5] =	wrdreg $0x9  }
0xb8: {  	_ =	task.clear_ibuf [dreg:s8], $0x6FFFF;
	_ =	strace $0x90000046  }
0xb9: {  	s29 =	simm.s32 $0x9;
	_ =	strace $0x80000048  }
0xba: {  	_ =	swait.ge [sflag:s29], $0x1  }
0xbb: {  	[sflag:s29] =	ssyncadd.s32 $0xFFFFFFFF  }
0xbc: {  	_ =	strace $0x90000048  }
0xbd: {  	_ =	sfence  }
0xbe: {  	s30 =	sld [smem:$0x0];
	_ =	sdelay $0x2  }
0xbf: {  	s31 =	sshll.u32 s1, $0xD;
	s1 =	sshrl.u32 s1, $0x2  }
0xc0: {  	s3 =	sand.u32 $0x4000, s31;
	s1 =	sadd.s32 s1, s30  }
0xc1: {  	s0 =	sor.u32 s3, s0;
	s1 =	sshll.u32 s1, $0x11  }
0xc2: {  	s0 =	sor.u32 s1, s0  }
0xc3: {  	s0 =	sadd.s32 $0x8F2B, s0  }
0xc4: {  	[sflag:s0] =	ssyncadd.remote.s32 $0x1  }
0xc5: {  	_ =	sfence.sel $0xFFFF  }
0xc6: {  	[dreg:$0x0] =	wrdreg $0xFFFFFFFF;
	(pc) =	sbr.abs _section_cstart, $3  }
0xc7: {  	[dreg:$0x1] =	wrdreg $0xFFFFFFFF  }
0xc8: {  	_ =	task.clear_ibuf [dreg:s8], $0x2FFFF;
	_ =	strace $0x9FFFFFFF  }
0xc9: {  	(tm) =	ssettm $0x7FFFFFFF  }
tec
execute0_lowered:
.L_overlay_start_1:
0x0: {  	(tag) =	ssettag $0x1  }
0x1: {  	s1 =	srdreg.scid  }
0x2: {  	s0 =	stileid.u32;
	s2 =	rddreg [dreg:$0x0]  }
0x3: {  	s5 =	rddreg [dreg:$0x1];
	s1 =	sand.u32 $0x1, s1;
	s3 =	sshll.u32 s0, $0x1  }
0x4: {  	s7 =	rddreg [dreg:$0x2];
	s4 =	sor.u32 s1, s3;
	s3 =	simm.s32 $0x0  }
0x5: {  	s12 =	simm.s32 $0x80;
	[smem:$0x7FF] =	sst s3  }
0x6: {  	s13 =	simm.s32 $0x100;
	_ =	strace $0x80000047;
	[dreg:$0x8] =	wrdreg s12  }
0x7: {  	s14 =	simm.s32 $0xA00;
	[dreg:$0x9] =	wrdreg s13  }
0x8: {  	s15 =	simm.s32 $0x1200;
	[dreg:$0xa] =	wrdreg s14  }
0x9: {  	s16 =	simm.s32 $0x1A00;
	[dreg:$0xb] =	wrdreg s15  }
0xa: {  	s17 =	simm.s32 $0x2200;
	[dreg:$0xc] =	wrdreg s16  }
0xb: {  	s18 =	simm.s32 $0x2A00;
	s19 =	simm.s32 $0x3200;
	[dreg:$0xd] =	wrdreg s17  }
0xc: {  	s20 =	simm.s32 $0x3A00;
	s21 =	simm.s32 $0x4200;
	[dreg:$0xe] =	wrdreg s18  }
0xd: {  	s23 =	simm.s32 $0x4A00;
	s24 =	simm.s32 $0x5200;
	[dreg:$0xf] =	wrdreg s19  }
0xe: {  	s25 =	simm.s32 $0x5A00;
	s26 =	simm.s32 $0x6200;
	[dreg:$0x10] =	wrdreg s20  }
0xf: {  	s10 =	simm.s32 $0x8200;
	s28 =	simm.s32 $0x10A00;
	[dreg:$0x11] =	wrdreg s21  }
0x10: {  	s29 =	simm.s32 $0x11200;
	s30 =	simm.s32 $0x11A00;
	[dreg:$0x12] =	wrdreg s23  }
0x11: {  	s31 =	simm.s32 $0x2;
	s1 =	ssub.s32 $0x2, s1;
	[dreg:$0x13] =	wrdreg s24  }
0x12: {  	s6 =	smul.u32 $0x120, s4;
	s22 =	sshrl.u32 s1, $0x1;
	[dreg:$0x14] =	wrdreg s25  }
0x13: {  	s4 =	smul.u32 $0x2400, s4;
	s1 =	ssub.s32 s1, s22;
	[dreg:$0x15] =	wrdreg s26  }
0x14: {  	s12 =	simm.s32 $0x9200;
	s13 =	simm.s32 $0x9A00;
	s14 =	simm.s32 $0xA200  }
0x15: {  	s15 =	simm.s32 $0xAA00;
	s16 =	simm.s32 $0xB200;
	s17 =	simm.s32 $0xBA00  }
0x16: {  	s18 =	simm.s32 $0xC200;
	s19 =	simm.s32 $0xCA00;
	s20 =	simm.s32 $0xD200  }
0x17: {  	s21 =	simm.s32 $0xDA00;
	s22 =	simm.s32 $0xE200;
	s6 =	sshrl.u32 s6, $0x3  }
0x18: {  	s23 =	simm.s32 $0xEA00;
	s4 =	sadd.s32 s7, s4;
	s5 =	sadd.s32 s6, s5  }
0x19: {  	s24 =	simm.s32 $0xF200;
	[dreg:$0x7] =	wrdreg s4;
	s6 =	sadd.s32 $0x600, s5  }
0x1a: {  	s25 =	simm.s32 $0xFA00;
	s11 =	sadd.s32 $0x60C, s5;
	[dreg:$0x4] =	wrdreg s6  }
0x1b: {  	v2 =	vlaneseq.u32;
	s26 =	simm.s32 $0x10200;
	s5 =	sadd.s32 $0x618, s5;
	[dreg:$0x5] =	wrdreg s11  }
0x1c: {  	vm0 =	vmmov $0xffff;
	v1 =	vshrl.u32 v2, $0x3;
	s4 =	smax.u32 s1, $0x1;
	s1 =	simm.s32 $0x3;
	[dreg:$0x6] =	wrdreg s5  }
0x1d: {  	v0 =	vand.u32 $0x7, v2;
	v2 =	vor.u32 $0x8, v2;
	v1 =	vmul.u32 $0x8, v1;
	s5 =	simm.s32 $0x1;
	s6 =	simm.s32 $0x200;
	s11 =	simm.s32 $0x8A00  }
.LBB2_1:
0x1e: {  	s0 =	rddreg [dreg:$0x4]  }
0x1f: {  	s7 =	rddreg [dreg:$0x8]  }
0x20: {  	s8 =	rddreg [dreg:$0x6]  }
0x21: {  	[tilespmem:s3], [sflag:$0x1] =	stream.linear.gather [hbm4b:s0+s3], $0x60, $0x38;
	[tilespmem:$0x12200] =	vst v63  }
0x22: {  	s0 =	rddreg [dreg:$0x5]  }
0x23: {  	[tilespmem:s7], [sflag:$0x1] =	stream.linear.gather [hbm4b:s0+s3], $0x60, $0x38;
	[tilespmem:$0x12200] =	vst v63  }
0x24: {  	s9 =	rddreg [dreg:$0x9]  }
0x25: {  	[tilespmem:s9], [sflag:$0x1] =	stream.linear.gather [hbm4b:s8+s3], $0x60, $0x38;
	[tilespmem:$0x12200] =	vst v63  }
0x26: {  	_ =	swait.ge [sflag:s5], $0x60  }
0x27: {  	[sflag:s5] =	ssyncset.done $0x0  }
0x28: {  	[sflag:s5] =	ssyncadd.s32 $0xFFFFFFA0  }
0x29: {  	_ =	swait.ge [sflag:s5], $0x60  }
0x2a: {  	[sflag:s5] =	ssyncset.done $0x0  }
0x2b: {  	[sflag:s5] =	ssyncadd.s32 $0xFFFFFFA0  }
0x2c: {  	_ =	swait.ge [sflag:s5], $0x60  }
0x2d: {  	[sflag:s5] =	ssyncset.done $0x0  }
0x2e: {  	[sflag:s5] =	ssyncadd.s32 $0xFFFFFFA0  }
0x2f: {  	v3 =	vld [tilespmem:$0x0];
	_ =	sdelay $0x4  }
0x30: {  	v4 =	vshll.u32 v3, $0x1  }
0x31: {  	v3 =	vand.u32 $0x7, v3;
	v4 =	vand.u32 $0xFFFFFFF0, v4  }
0x32: {  	v3 =	vor.u32 v3, v4  }
0x33: {  	v4 =	vperm.xlane v3, v0;
	_ =	sdelay $0x1  }
0x34: {  	v3 =	vperm.xlane v3, v2;
	v4 =	vadd.s32 v1, v4;
	_ =	sdelay $0x1  }
0x35: {  	v3 =	vadd.s32 v1, v3;
	_ =	sdelay $0x2  }
0x36: {  	[tilespmem:s6], [sflag:$0x2] =	stream.indirect_vreg.gather [hbm4b:s2+s3], $0x80, v4, vm0, $0xb8;
	[tilespmem:$0x12200] =	vst v63  }
0x37: {  	s7 =	rddreg [dreg:$0xa]  }
0x38: {  	[tilespmem:s7], [sflag:$0x2] =	stream.indirect_vreg.gather [hbm4b:s2+s3], $0x80, v3, vm0, $0xb8;
	[tilespmem:$0x12200] =	vst v63  }
0x39: {  	v3 =	vld [tilespmem:$0x10];
	_ =	sdelay $0x4  }
0x3a: {  	v47 =	vshll.u32 v3, $0x1  }
0x3b: {  	v3 =	vand.u32 $0x7, v3;
	v4 =	vand.u32 $0xFFFFFFF0, v47  }
0x3c: {  	v3 =	vor.u32 v3, v4  }
0x3d: {  	v4 =	vperm.xlane v3, v0;
	_ =	sdelay $0x1  }
0x3e: {  	v3 =	vperm.xlane v3, v2;
	v4 =	vadd.s32 v1, v4;
	_ =	sdelay $0x1  }
0x3f: {  	v3 =	vadd.s32 v1, v3;
	_ =	sdelay $0x1  }
0x40: {  	s8 =	rddreg [dreg:$0xb]  }
0x41: {  	[tilespmem:s8], [sflag:$0x2] =	stream.indirect_vreg.gather [hbm4b:s2+s3], $0x80, v4, vm0, $0xb8;
	[tilespmem:$0x12200] =	vst v63  }
0x42: {  	s9 =	rddreg [dreg:$0xc]  }
0x43: {  	[tilespmem:s9], [sflag:$0x2] =	stream.indirect_vreg.gather [hbm4b:s2+s3], $0x80, v3, vm0, $0xb8;
	[tilespmem:$0x12200] =	vst v63  }
0x44: {  	v3 =	vld [tilespmem:$0x20];
	_ =	sdelay $0x4  }
0x45: {  	v48 =	vshll.u32 v3, $0x1  }
0x46: {  	v3 =	vand.u32 $0x7, v3;
	v4 =	vand.u32 $0xFFFFFFF0, v48  }
0x47: {  	v3 =	vor.u32 v3, v4  }
0x48: {  	v4 =	vperm.xlane v3, v0;
	_ =	sdelay $0x1  }
0x49: {  	v3 =	vperm.xlane v3, v2;
	v4 =	vadd.s32 v1, v4;
	_ =	sdelay $0x1  }
0x4a: {  	v3 =	vadd.s32 v1, v3;
	_ =	sdelay $0x1  }
0x4b: {  	s8 =	rddreg [dreg:$0xd]  }
0x4c: {  	[tilespmem:s8], [sflag:$0x2] =	stream.indirect_vreg.gather [hbm4b:s2+s3], $0x80, v4, vm0, $0xb8;
	[tilespmem:$0x12200] =	vst v63  }
0x4d: {  	s9 =	rddreg [dreg:$0xe]  }
0x4e: {  	[tilespmem:s9], [sflag:$0x2] =	stream.indirect_vreg.gather [hbm4b:s2+s3], $0x80, v3, vm0, $0xb8;
	[tilespmem:$0x12200] =	vst v63  }
0x4f: {  	v3 =	vld [tilespmem:$0x30];
	_ =	sdelay $0x4  }
0x50: {  	v49 =	vshll.u32 v3, $0x1  }
0x51: {  	v3 =	vand.u32 $0x7, v3;
	v4 =	vand.u32 $0xFFFFFFF0, v49  }
0x52: {  	v3 =	vor.u32 v3, v4  }
0x53: {  	v4 =	vperm.xlane v3, v0;
	_ =	sdelay $0x1  }
0x54: {  	v3 =	vperm.xlane v3, v2;
	v4 =	vadd.s32 v1, v4;
	_ =	sdelay $0x1  }
0x55: {  	v3 =	vadd.s32 v1, v3;
	_ =	sdelay $0x1  }
0x56: {  	s8 =	rddreg [dreg:$0xf]  }
0x57: {  	[tilespmem:s8], [sflag:$0x2] =	stream.indirect_vreg.gather [hbm4b:s2+s3], $0x80, v4, vm0, $0xb8;
	[tilespmem:$0x12200] =	vst v63  }
0x58: {  	s9 =	rddreg [dreg:$0x10]  }
0x59: {  	[tilespmem:s9], [sflag:$0x2] =	stream.indirect_vreg.gather [hbm4b:s2+s3], $0x80, v3, vm0, $0xb8;
	[tilespmem:$0x12200] =	vst v63  }
0x5a: {  	v3 =	vld [tilespmem:$0x40];
	_ =	sdelay $0x4  }
0x5b: {  	v50 =	vshll.u32 v3, $0x1  }
0x5c: {  	v3 =	vand.u32 $0x7, v3;
	v4 =	vand.u32 $0xFFFFFFF0, v50  }
0x5d: {  	v3 =	vor.u32 v3, v4  }
0x5e: {  	v4 =	vperm.xlane v3, v0;
	_ =	sdelay $0x1  }
0x5f: {  	v3 =	vperm.xlane v3, v2;
	v4 =	vadd.s32 v1, v4;
	_ =	sdelay $0x1  }
0x60: {  	v3 =	vadd.s32 v1, v3;
	_ =	sdelay $0x1  }
0x61: {  	s8 =	rddreg [dreg:$0x11]  }
0x62: {  	[tilespmem:s8], [sflag:$0x2] =	stream.indirect_vreg.gather [hbm4b:s2+s3], $0x80, v4, vm0, $0xb8;
	[tilespmem:$0x12200] =	vst v63  }
0x63: {  	s9 =	rddreg [dreg:$0x12]  }
0x64: {  	[tilespmem:s9], [sflag:$0x2] =	stream.indirect_vreg.gather [hbm4b:s2+s3], $0x80, v3, vm0, $0xb8;
	[tilespmem:$0x12200] =	vst v63  }
0x65: {  	v3 =	vld [tilespmem:$0x50];
	_ =	sdelay $0x4  }
0x66: {  	v51 =	vshll.u32 v3, $0x1  }
0x67: {  	v3 =	vand.u32 $0x7, v3;
	v4 =	vand.u32 $0xFFFFFFF0, v51  }
0x68: {  	v3 =	vor.u32 v3, v4  }
0x69: {  	v4 =	vperm.xlane v3, v0;
	_ =	sdelay $0x1  }
0x6a: {  	v3 =	vperm.xlane v3, v2;
	v4 =	vadd.s32 v1, v4;
	_ =	sdelay $0x1  }
0x6b: {  	v3 =	vadd.s32 v1, v3;
	_ =	sdelay $0x1  }
0x6c: {  	s8 =	rddreg [dreg:$0x13]  }
0x6d: {  	[tilespmem:s8], [sflag:$0x2] =	stream.indirect_vreg.gather [hbm4b:s2+s3], $0x80, v4, vm0, $0xb8;
	[tilespmem:$0x12200] =	vst v63  }
0x6e: {  	s9 =	rddreg [dreg:$0x14]  }
0x6f: {  	[tilespmem:s9], [sflag:$0x2] =	stream.indirect_vreg.gather [hbm4b:s2+s3], $0x80, v3, vm0, $0xb8;
	[tilespmem:$0x12200] =	vst v63  }
0x70: {  	v3 =	vld [tilespmem:$0x80];
	_ =	sdelay $0x4  }
0x71: {  	v52 =	vshll.u32 v3, $0x1  }
0x72: {  	v3 =	vand.u32 $0x7, v3;
	v4 =	vand.u32 $0xFFFFFFF0, v52  }
0x73: {  	v3 =	vor.u32 v3, v4  }
0x74: {  	v4 =	vperm.xlane v3, v0;
	_ =	sdelay $0x1  }
0x75: {  	v3 =	vperm.xlane v3, v2;
	v4 =	vadd.s32 v1, v4;
	_ =	sdelay $0x1  }
0x76: {  	v3 =	vadd.s32 v1, v3;
	_ =	sdelay $0x1  }
0x77: {  	s8 =	rddreg [dreg:$0x15]  }
0x78: {  	[tilespmem:s8], [sflag:$0x2] =	stream.indirect_vreg.gather [hbm4b:s2+s3], $0x80, v4, vm0, $0xb8;
	[tilespmem:$0x12200] =	vst v63  }
0x79: {  	s9 =	simm.s32 $0x6A00  }
0x7a: {  	[tilespmem:s9], [sflag:$0x2] =	stream.indirect_vreg.gather [hbm4b:s2+s3], $0x80, v3, vm0, $0xb8;
	[tilespmem:$0x12200] =	vst v63  }
0x7b: {  	v3 =	vld [tilespmem:$0x90];
	_ =	sdelay $0x4  }
0x7c: {  	v53 =	vshll.u32 v3, $0x1  }
0x7d: {  	v3 =	vand.u32 $0x7, v3;
	v4 =	vand.u32 $0xFFFFFFF0, v53  }
0x7e: {  	v3 =	vor.u32 v3, v4  }
0x7f: {  	v4 =	vperm.xlane v3, v0;
	_ =	sdelay $0x1  }
0x80: {  	v3 =	vperm.xlane v3, v2;
	v4 =	vadd.s32 v1, v4;
	_ =	sdelay $0x1  }
0x81: {  	v3 =	vadd.s32 v1, v3;
	_ =	sdelay $0x1  }
0x82: {  	s7 =	simm.s32 $0x7200  }
0x83: {  	[tilespmem:s7], [sflag:$0x2] =	stream.indirect_vreg.gather [hbm4b:s2+s3], $0x80, v4, vm0, $0xb8;
	[tilespmem:$0x12200] =	vst v63  }
0x84: {  	s8 =	simm.s32 $0x7A00  }
0x85: {  	[tilespmem:s8], [sflag:$0x2] =	stream.indirect_vreg.gather [hbm4b:s2+s3], $0x80, v3, vm0, $0xb8;
	[tilespmem:$0x12200] =	vst v63  }
0x86: {  	v3 =	vld [tilespmem:$0xA0];
	_ =	sdelay $0x4  }
0x87: {  	v54 =	vshll.u32 v3, $0x1  }
0x88: {  	v3 =	vand.u32 $0x7, v3;
	v4 =	vand.u32 $0xFFFFFFF0, v54  }
0x89: {  	v3 =	vor.u32 v3, v4  }
0x8a: {  	v4 =	vperm.xlane v3, v0;
	_ =	sdelay $0x1  }
0x8b: {  	v3 =	vperm.xlane v3, v2;
	v4 =	vadd.s32 v1, v4;
	_ =	sdelay $0x1  }
0x8c: {  	v3 =	vadd.s32 v1, v3;
	_ =	sdelay $0x2  }
0x8d: {  	[tilespmem:s10], [sflag:$0x2] =	stream.indirect_vreg.gather [hbm4b:s2+s3], $0x80, v4, vm0, $0xb8;
	[tilespmem:$0x12200] =	vst v63  }
0x8e: {  	_ = 	snop  }
0x8f: {  	[tilespmem:s11], [sflag:$0x2] =	stream.indirect_vreg.gather [hbm4b:s2+s3], $0x80, v3, vm0, $0xb8;
	[tilespmem:$0x12200] =	vst v63  }
0x90: {  	v3 =	vld [tilespmem:$0xB0];
	_ =	sdelay $0x4  }
0x91: {  	v55 =	vshll.u32 v3, $0x1  }
0x92: {  	v3 =	vand.u32 $0x7, v3;
	v4 =	vand.u32 $0xFFFFFFF0, v55  }
0x93: {  	v3 =	vor.u32 v3, v4  }
0x94: {  	v4 =	vperm.xlane v3, v0;
	_ =	sdelay $0x1  }
0x95: {  	v3 =	vperm.xlane v3, v2;
	v4 =	vadd.s32 v1, v4;
	_ =	sdelay $0x1  }
0x96: {  	v3 =	vadd.s32 v1, v3;
	_ =	sdelay $0x2  }
0x97: {  	[tilespmem:s12], [sflag:$0x2] =	stream.indirect_vreg.gather [hbm4b:s2+s3], $0x80, v4, vm0, $0xb8;
	[tilespmem:$0x12200] =	vst v63  }
0x98: {  	_ = 	snop  }
0x99: {  	[tilespmem:s13], [sflag:$0x2] =	stream.indirect_vreg.gather [hbm4b:s2+s3], $0x80, v3, vm0, $0xb8;
	[tilespmem:$0x12200] =	vst v63  }
0x9a: {  	v3 =	vld [tilespmem:$0xC0];
	_ =	sdelay $0x4  }
0x9b: {  	v56 =	vshll.u32 v3, $0x1  }
0x9c: {  	v3 =	vand.u32 $0x7, v3;
	v4 =	vand.u32 $0xFFFFFFF0, v56  }
0x9d: {  	v3 =	vor.u32 v3, v4  }
0x9e: {  	v4 =	vperm.xlane v3, v0;
	_ =	sdelay $0x1  }
0x9f: {  	v3 =	vperm.xlane v3, v2;
	v4 =	vadd.s32 v1, v4;
	_ =	sdelay $0x1  }
0xa0: {  	v3 =	vadd.s32 v1, v3;
	_ =	sdelay $0x2  }
0xa1: {  	[tilespmem:s14], [sflag:$0x2] =	stream.indirect_vreg.gather [hbm4b:s2+s3], $0x80, v4, vm0, $0xb8;
	[tilespmem:$0x12200] =	vst v63  }
0xa2: {  	_ = 	snop  }
0xa3: {  	[tilespmem:s15], [sflag:$0x2] =	stream.indirect_vreg.gather [hbm4b:s2+s3], $0x80, v3, vm0, $0xb8;
	[tilespmem:$0x12200] =	vst v63  }
0xa4: {  	v3 =	vld [tilespmem:$0xD0];
	_ =	sdelay $0x4  }
0xa5: {  	v57 =	vshll.u32 v3, $0x1  }
0xa6: {  	v3 =	vand.u32 $0x7, v3;
	v4 =	vand.u32 $0xFFFFFFF0, v57  }
0xa7: {  	v3 =	vor.u32 v3, v4  }
0xa8: {  	v4 =	vperm.xlane v3, v0;
	_ =	sdelay $0x1  }
0xa9: {  	v3 =	vperm.xlane v3, v2;
	v4 =	vadd.s32 v1, v4;
	_ =	sdelay $0x1  }
0xaa: {  	v3 =	vadd.s32 v1, v3;
	_ =	sdelay $0x2  }
0xab: {  	[tilespmem:s16], [sflag:$0x2] =	stream.indirect_vreg.gather [hbm4b:s2+s3], $0x80, v4, vm0, $0xb8;
	[tilespmem:$0x12200] =	vst v63  }
0xac: {  	_ = 	snop  }
0xad: {  	[tilespmem:s17], [sflag:$0x2] =	stream.indirect_vreg.gather [hbm4b:s2+s3], $0x80, v3, vm0, $0xb8;
	[tilespmem:$0x12200] =	vst v63  }
0xae: {  	v3 =	vld [tilespmem:$0x100];
	_ =	sdelay $0x4  }
0xaf: {  	v58 =	vshll.u32 v3, $0x1  }
0xb0: {  	v3 =	vand.u32 $0x7, v3;
	v4 =	vand.u32 $0xFFFFFFF0, v58  }
0xb1: {  	v3 =	vor.u32 v3, v4  }
0xb2: {  	v4 =	vperm.xlane v3, v0;
	_ =	sdelay $0x1  }
0xb3: {  	v3 =	vperm.xlane v3, v2;
	v4 =	vadd.s32 v1, v4;
	_ =	sdelay $0x1  }
0xb4: {  	v3 =	vadd.s32 v1, v3;
	_ =	sdelay $0x2  }
0xb5: {  	[tilespmem:s18], [sflag:$0x2] =	stream.indirect_vreg.gather [hbm4b:s2+s3], $0x80, v4, vm0, $0xb8;
	[tilespmem:$0x12200] =	vst v63  }
0xb6: {  	_ = 	snop  }
0xb7: {  	[tilespmem:s19], [sflag:$0x2] =	stream.indirect_vreg.gather [hbm4b:s2+s3], $0x80, v3, vm0, $0xb8;
	[tilespmem:$0x12200] =	vst v63  }
0xb8: {  	v3 =	vld [tilespmem:$0x110];
	_ =	sdelay $0x4  }
0xb9: {  	v59 =	vshll.u32 v3, $0x1  }
0xba: {  	v3 =	vand.u32 $0x7, v3;
	v4 =	vand.u32 $0xFFFFFFF0, v59  }
0xbb: {  	v3 =	vor.u32 v3, v4  }
0xbc: {  	v4 =	vperm.xlane v3, v0;
	_ =	sdelay $0x1  }
0xbd: {  	v3 =	vperm.xlane v3, v2;
	v4 =	vadd.s32 v1, v4;
	_ =	sdelay $0x1  }
0xbe: {  	v3 =	vadd.s32 v1, v3;
	_ =	sdelay $0x2  }
0xbf: {  	[tilespmem:s20], [sflag:$0x2] =	stream.indirect_vreg.gather [hbm4b:s2+s3], $0x80, v4, vm0, $0xb8;
	[tilespmem:$0x12200] =	vst v63  }
0xc0: {  	_ = 	snop  }
0xc1: {  	[tilespmem:s21], [sflag:$0x2] =	stream.indirect_vreg.gather [hbm4b:s2+s3], $0x80, v3, vm0, $0xb8;
	[tilespmem:$0x12200] =	vst v63  }
0xc2: {  	v3 =	vld [tilespmem:$0x120];
	_ =	sdelay $0x4  }
0xc3: {  	v60 =	vshll.u32 v3, $0x1  }
0xc4: {  	v3 =	vand.u32 $0x7, v3;
	v4 =	vand.u32 $0xFFFFFFF0, v60  }
0xc5: {  	v3 =	vor.u32 v3, v4  }
0xc6: {  	v4 =	vperm.xlane v3, v0;
	_ =	sdelay $0x1  }
0xc7: {  	v3 =	vperm.xlane v3, v2;
	v4 =	vadd.s32 v1, v4;
	_ =	sdelay $0x1  }
0xc8: {  	v3 =	vadd.s32 v1, v3;
	_ =	sdelay $0x2  }
0xc9: {  	[tilespmem:s22], [sflag:$0x2] =	stream.indirect_vreg.gather [hbm4b:s2+s3], $0x80, v4, vm0, $0xb8;
	[tilespmem:$0x12200] =	vst v63  }
0xca: {  	_ = 	snop  }
0xcb: {  	[tilespmem:s23], [sflag:$0x2] =	stream.indirect_vreg.gather [hbm4b:s2+s3], $0x80, v3, vm0, $0xb8;
	[tilespmem:$0x12200] =	vst v63  }
0xcc: {  	v3 =	vld [tilespmem:$0x130];
	_ =	sdelay $0x4  }
0xcd: {  	v61 =	vshll.u32 v3, $0x1  }
0xce: {  	v3 =	vand.u32 $0x7, v3;
	v4 =	vand.u32 $0xFFFFFFF0, v61  }
0xcf: {  	v3 =	vor.u32 v3, v4  }
0xd0: {  	v4 =	vperm.xlane v3, v0;
	_ =	sdelay $0x1  }
0xd1: {  	v3 =	vperm.xlane v3, v2;
	v4 =	vadd.s32 v1, v4;
	_ =	sdelay $0x1  }
0xd2: {  	v3 =	vadd.s32 v1, v3;
	_ =	sdelay $0x2  }
0xd3: {  	[tilespmem:s24], [sflag:$0x2] =	stream.indirect_vreg.gather [hbm4b:s2+s3], $0x80, v4, vm0, $0xb8;
	[tilespmem:$0x12200] =	vst v63  }
0xd4: {  	_ = 	snop  }
0xd5: {  	[tilespmem:s25], [sflag:$0x2] =	stream.indirect_vreg.gather [hbm4b:s2+s3], $0x80, v3, vm0, $0xb8;
	[tilespmem:$0x12200] =	vst v63  }
0xd6: {  	v3 =	vld [tilespmem:$0x140];
	_ =	sdelay $0x4  }
0xd7: {  	v62 =	vshll.u32 v3, $0x1  }
0xd8: {  	v3 =	vand.u32 $0x7, v3;
	v4 =	vand.u32 $0xFFFFFFF0, v62  }
0xd9: {  	v3 =	vor.u32 v3, v4  }
0xda: {  	v4 =	vperm.xlane v3, v0;
	_ =	sdelay $0x1  }
0xdb: {  	v3 =	vperm.xlane v3, v2;
	v4 =	vadd.s32 v1, v4;
	_ =	sdelay $0x1  }
0xdc: {  	v3 =	vadd.s32 v1, v3;
	_ =	sdelay $0x2  }
0xdd: {  	[tilespmem:s26], [sflag:$0x2] =	stream.indirect_vreg.gather [hbm4b:s2+s3], $0x80, v4, vm0, $0xb8;
	[tilespmem:$0x12200] =	vst v63  }
0xde: {  	_ = 	snop  }
0xdf: {  	[tilespmem:s28], [sflag:$0x2] =	stream.indirect_vreg.gather [hbm4b:s2+s3], $0x80, v3, vm0, $0xb8;
	[tilespmem:$0x12200] =	vst v63  }
0xe0: {  	v3 =	vld [tilespmem:$0x150];
	_ =	sdelay $0x4  }
0xe1: {  	v63 =	vshll.u32 v3, $0x1  }
0xe2: {  	v3 =	vand.u32 $0x7, v3;
	v4 =	vand.u32 $0xFFFFFFF0, v63  }
0xe3: {  	v3 =	vor.u32 v3, v4  }
0xe4: {  	v4 =	vperm.xlane v3, v0;
	_ =	sdelay $0x1  }
0xe5: {  	v3 =	vperm.xlane v3, v2;
	v4 =	vadd.s32 v1, v4;
	_ =	sdelay $0x1  }
0xe6: {  	v3 =	vadd.s32 v1, v3;
	_ =	sdelay $0x2  }
0xe7: {  	[tilespmem:s29], [sflag:$0x2] =	stream.indirect_vreg.gather [hbm4b:s2+s3], $0x80, v4, vm0, $0xb8;
	[tilespmem:$0x12200] =	vst v63  }
0xe8: {  	_ = 	snop  }
0xe9: {  	[tilespmem:s30], [sflag:$0x2] =	stream.indirect_vreg.gather [hbm4b:s2+s3], $0x80, v3, vm0, $0xb8;
	[tilespmem:$0x12200] =	vst v63  }
0xea: {  	_ =	swait.ge [sflag:s31], $0x6000  }
0xeb: {  	[sflag:s31] =	ssyncset.done $0x0  }
0xec: {  	[sflag:s31] =	ssyncadd.s32 $0xFFFFA000  }
0xed: {  	_ =	swait.ge [sflag:s31], $0x6000  }
0xee: {  	[sflag:s31] =	ssyncset.done $0x0  }
0xef: {  	[sflag:s31] =	ssyncadd.s32 $0xFFFFA000  }
0xf0: {  	_ =	swait.ge [sflag:s31], $0x6000  }
0xf1: {  	p0 =	sne.s32 s4, $0x1;
	[sflag:s31] =	ssyncset.done $0x0  }
.Ltmp0:
0xf2: {  	s9 =	rddreg [dreg:$0x7];
	[sflag:s31] =	ssyncadd.s32 $0xFFFFA000;
	(pc) =	sbr.rel @p0 .LBB2_1-.Ltmp0, $4  }
0xf3: {  	[hbm4b:s9+s3] =	stream.linear.scatter [tilespmem:s6], [sflag:$0x3], $0x12000, $0x38;
	[tilespmem:$0x12200] =	vst v63  }
0xf4: {  	_ =	swait.ge [sflag:s1], $0x12000  }
0xf5: {  	[sflag:s1] =	ssyncset.done $0x0  }
0xf6: {  	s4 =	sadd.s32 $0xFFFFFFFF, s4;
	[sflag:s1] =	ssyncadd.s32 $0xFFFEE000  }
0xf7: {  	_ =	sfence.sel $0x180000  }
0xf8: {  	[bflag:$0x0] =	sbarrier.arrive $0xFFFF  }
0xf9: {  	_ =	strace $0x90000047  }
0xfa: {  	s0 =	stileid.u32;
	[bflag:$0x2] =	sbarrier.arrive $0xFFFF  }
0xfb: {  	p0 =	sne.s32 s0, $0x0;
	s0 =	rddreg [dreg:$0x3]  }
0xfc: {  	s0 =	sadd.s32 @!p0 $0x100000, s0  }
0xfd: {  	[sflag:s0] =	ssyncadd.tile.s32 @!p0 $0x1;
	_ =	shalt  }
.Lfunc_end2:
_tile_overlayer_lowered:
.L_overlay_start_2:
0xfe: {  	(tag) =	ssettag $0x2  }
0xff: {  	s0 =	rddreg [dreg:$0x0];
	s2 =	stileid.u32  }
0x100: {  	s1 =	rddreg [dreg:$0x1];
	p0 =	sne.s32 s2, $0x0  }
0x101: {  	s3 =	rddreg [dreg:$0x2];
	[bflag:$0x3] =	sbarrier.arrive $0xFFFF;
	s2 =	simm.s32 @!p0 $0x1C03  }
0x102: {  	[timem:s3], [sflag:s2] =	dma.local @!p0 [hbm:s0], s1  }
0x103: {  	s0 =	simm.s32 @!p0 $0x3  }
0x104: {  	_ =	swait.ge @!p0 [sflag:s0], s1  }
0x105: {  	s1 =	ssub.s32 @!p0 $0x0, s1;
	[sflag:s0] =	ssyncset.done @!p0 $0x0  }
0x106: {  	[sflag:s0] =	ssyncadd.s32 @!p0 s1  }
0x107: {  	[bflag:$0x3] =	sbarrier.arrive $0xFFFF  }
0x108: {  	_ =	shalt  }

</sc_bundles>
